<compile_context>
chip_gen: v7x
topology: tpu7x:2x2x1
jax: 0.10.2.dev20260603
libtpu: 0.0.44.dev20260713+nightly
codegen_flags: <defaults>
</compile_context>

<pallas_src>
import functools

import jax
import jax.numpy as jnp
from jax import lax
from jax.experimental import pallas as pl
from jax.experimental.pallas import tpu as pltpu
from jax.experimental.pallas import tpu_sc as plsc

_N = 256
_D = 2048
_BW = _N // 32
_R = 16


@functools.partial(
    pl.kernel,
    out_type=jax.ShapeDtypeStruct((_N, _D), jnp.float32),
    mesh=plsc.VectorSubcoreMesh(core_axis_name="c", subcore_axis_name="s"),
    scratch_types=[
        pltpu.VMEM((_BW,), jnp.int32),
        pltpu.VMEM((_BW, _D), jnp.float32),
        pltpu.SemaphoreType.DMA,
    ],
)
def _sc_gather(table, idx, out, idx_v, rows_v, sem):
    wid = lax.axis_index("s") * 2 + lax.axis_index("c")
    base = wid * _BW
    pltpu.sync_copy(idx.at[pl.ds(base, _BW)], idx_v)
    pltpu.async_copy(table.at[idx_v], rows_v, sem).wait()
    pltpu.sync_copy(rows_v, out.at[pl.ds(base, _BW)])


def _tc_body(vid_ref, g_ref, pos_ref, out_ref):
    for j in range(_R):
        out_ref[j] = vid_ref[j] + g_ref[pl.ds(j, 1), :] + pos_ref[0]


def kernel(video_embeds, video_frame_mask, frame_token, pos_token):
    N, P, D = video_embeds.shape
    frame_idx = (
        jnp.cumsum(video_frame_mask.astype(jnp.int32), axis=-1) - 1
    ).reshape(-1)
    gathered = _sc_gather(frame_token.reshape(-1, D), frame_idx)
    return pl.pallas_call(
        _tc_body,
        grid=(N // _R,),
        in_specs=[
            pl.BlockSpec((_R, P, D), lambda i: (i, 0, 0)),
            pl.BlockSpec((_R, D), lambda i: (i, 0)),
            pl.BlockSpec((1, P, D), lambda i: (0, 0, 0)),
        ],
        out_specs=pl.BlockSpec((_R, P, D), lambda i: (i, 0, 0)),
        out_shape=jax.ShapeDtypeStruct((N, P, D), video_embeds.dtype),
    )(video_embeds, gathered, pos_token)

# --- scband reference (transcript-rebuilt; emitter-appended) ---
"""Pipeline reference for scband-video-pos-token-6459630813679 (READ-ONLY COPY).

The authoritative reference and input builder live on the scoring server;
editing this copy changes nothing except your own understanding.
"""

import jax, jax.numpy as jnp
import numpy as np


def setup_inputs(seed: int = 0) -> dict:
    key = jax.random.key(seed)
    k1, k2, k3 = jax.random.split(key, 3)
    video_embeds = jax.random.normal(k1, (256, 64, 2048), dtype=jnp.float32)
    video_frame_mask = jnp.ones((32, 8), dtype=bool)
    # learned parameters sized per init_kwargs: max_num_frames = 512 // 64 = 8
    frame_token = jax.random.normal(k2, (8, 1, 2048), dtype=jnp.float32) * 0.02
    pos_token = jax.random.normal(k3, (1, 64, 2048), dtype=jnp.float32) * 0.02
    return {
        "video_embeds": video_embeds,
        "video_frame_mask": video_frame_mask,
        "frame_token": frame_token,
        "pos_token": pos_token,
    }


def reference(video_embeds, video_frame_mask, frame_token, pos_token):
    # per-row running index of valid frames; with the all-valid mask this is
    # exactly cat([arange(n) for n in num_valid_frames]) with static length B*F
    mask_i32 = video_frame_mask.astype(jnp.int32)
    frame_idx = (jnp.cumsum(mask_i32, axis=-1) - 1).astype(jnp.int32).reshape(-1)
    # gather frame tokens: frame_token[frame_idx] -> (sum_valid_frames, 1, dim)
    gathered = jnp.take(frame_token, frame_idx, axis=0)
    return video_embeds + gathered + pos_token

if __name__ == "__main__":
    import jax
    _d = setup_inputs()
    print(jax.jit(kernel)(*tuple(_d.values())))

</pallas_src>

<mosaic_0001>
#map = affine_map<(d0, d1) -> (0, 0)>
#map1 = affine_map<(d0, d1) -> (0)>
module attributes {stable_mosaic.version = 14 : i64} {
  func.func @_sc_gather(%arg0: i32, %arg1: i32, %arg2: memref<8x2048xf32, #tpu.memory_space<hbm>>, %arg3: memref<256xi32, #tpu.memory_space<hbm>>, %arg4: memref<256x2048xf32, #tpu.memory_space<hbm>>, %arg5: memref<8xi32, #tpu.memory_space<vmem>>, %arg6: memref<8x2048xf32, #tpu.memory_space<vmem>>, %arg7: memref<!tpu.dma_semaphore, #tpu.memory_space<semaphore_mem>>) attributes {dimension_semantics = [#tpu.dimension_semantics<core_parallel>, #tpu.dimension_semantics<subcore_parallel>], iteration_bounds = array<i64: 2, 16>, scalar_prefetch = 0 : i64, scratch_operands = 3 : i64, tpu.core_type = #tpu.core_type<sc_vector_subcore>, window_params = [{transform_indices = #map}, {transform_indices = #map1}, {transform_indices = #map}]} {
    %mul3A = arith.constant 2 : i32
    %mul3A_0 = arith.muli %arg1, %mul3A : i32
    %add3A = arith.addi %mul3A_0, %arg0 : i32
    %mul3A_1 = arith.constant 8 : i32
    %mul3A_2 = arith.muli %add3A, %mul3A_1 : i32
    "tpu.region"() ({
      %run_scoped3A = tpu.sem_alloc : memref<!tpu.dma_semaphore, #tpu.memory_space<semaphore_mem>>
      %dma_start3A_7 = tpu.memref_slice %arg3[%mul3A_2] : memref<256xi32, #tpu.memory_space<hbm>> -> memref<8xi32, #tpu.memory_space<hbm>>
      %dma_start3A_8 = tpu.memref_slice %arg3[%mul3A_2] : memref<256xi32, #tpu.memory_space<hbm>> -> memref<8xi32, #tpu.memory_space<hbm>>
      tpu.enqueue_dma source(%dma_start3A_8 : memref<8xi32, #tpu.memory_space<hbm>>) target(%arg5 : memref<8xi32, #tpu.memory_space<vmem>>) target_semaphore(%run_scoped3A : memref<!tpu.dma_semaphore, #tpu.memory_space<semaphore_mem>>)
      %dma_wait3A_9 = tpu.memref_slice %arg3[%mul3A_2] : memref<256xi32, #tpu.memory_space<hbm>> -> memref<8xi32, #tpu.memory_space<hbm>>
      %dma_wait3A_10 = tpu.memref_slice %arg3[%mul3A_2] : memref<256xi32, #tpu.memory_space<hbm>> -> memref<8xi32, #tpu.memory_space<hbm>>
      tpu.wait_dma2 semaphore(%run_scoped3A : memref<!tpu.dma_semaphore, #tpu.memory_space<semaphore_mem>>) src(%dma_wait3A_10 : memref<8xi32, #tpu.memory_space<hbm>>) dst(%arg5 : memref<8xi32, #tpu.memory_space<vmem>>)
      tpu.yield
    }) : () -> ()
    %dma_start3A = arith.constant 0 : i32
    %dma_start3A_3 = arith.constant 0 : i32
    %dma_start3A_4 = tpu.memref_slice %arg2[%dma_start3A, %dma_start3A_3] : memref<8x2048xf32, #tpu.memory_space<hbm>> -> memref<8x2048xf32, #tpu.memory_space<hbm>>
    tpu.enqueue_indirect_dma source(%dma_start3A_4 : memref<8x2048xf32, #tpu.memory_space<hbm>>) target(%arg6 : memref<8x2048xf32, #tpu.memory_space<vmem>>) offsets(%arg5 : memref<8xi32, #tpu.memory_space<vmem>>) semaphore(%arg7 : memref<!tpu.dma_semaphore, #tpu.memory_space<semaphore_mem>>)
    %dma_wait3A = arith.constant 0 : i32
    %dma_wait3A_5 = arith.constant 0 : i32
    %dma_wait3A_6 = tpu.memref_slice %arg2[%dma_wait3A, %dma_wait3A_5] : memref<8x2048xf32, #tpu.memory_space<hbm>> -> memref<8x2048xf32, #tpu.memory_space<hbm>>
    tpu.wait_indirect_dma semaphore(%arg7 : memref<!tpu.dma_semaphore, #tpu.memory_space<semaphore_mem>>) src(%dma_wait3A_6 : memref<8x2048xf32, #tpu.memory_space<hbm>>) dst(%arg6 : memref<8x2048xf32, #tpu.memory_space<vmem>>)
    "tpu.region"() ({
      %run_scoped3A = tpu.sem_alloc : memref<!tpu.dma_semaphore, #tpu.memory_space<semaphore_mem>>
      %dma_start3A_7 = arith.constant 0 : i32
      %dma_start3A_8 = tpu.memref_slice %arg4[%mul3A_2, %dma_start3A_7] : memref<256x2048xf32, #tpu.memory_space<hbm>> -> memref<8x2048xf32, #tpu.memory_space<hbm>>
      %dma_start3A_9 = arith.constant 0 : i32
      %dma_start3A_10 = tpu.memref_slice %arg4[%mul3A_2, %dma_start3A_9] : memref<256x2048xf32, #tpu.memory_space<hbm>> -> memref<8x2048xf32, #tpu.memory_space<hbm>>
      tpu.enqueue_dma source(%arg6 : memref<8x2048xf32, #tpu.memory_space<vmem>>) target(%dma_start3A_10 : memref<8x2048xf32, #tpu.memory_space<hbm>>) target_semaphore(%run_scoped3A : memref<!tpu.dma_semaphore, #tpu.memory_space<semaphore_mem>>)
      %dma_wait3A_11 = arith.constant 0 : i32
      %dma_wait3A_12 = tpu.memref_slice %arg4[%mul3A_2, %dma_wait3A_11] : memref<256x2048xf32, #tpu.memory_space<hbm>> -> memref<8x2048xf32, #tpu.memory_space<hbm>>
      %dma_wait3A_13 = arith.constant 0 : i32
      %dma_wait3A_14 = tpu.memref_slice %arg4[%mul3A_2, %dma_wait3A_13] : memref<256x2048xf32, #tpu.memory_space<hbm>> -> memref<8x2048xf32, #tpu.memory_space<hbm>>
      tpu.wait_dma2 semaphore(%run_scoped3A : memref<!tpu.dma_semaphore, #tpu.memory_space<semaphore_mem>>) src(%arg6 : memref<8x2048xf32, #tpu.memory_space<vmem>>) dst(%dma_wait3A_14 : memref<8x2048xf32, #tpu.memory_space<hbm>>)
      tpu.yield
    }) : () -> ()
    return
  }
}

module attributes {stable_mosaic.version = 14 : i64} {
  func.func @_tc_body(%arg0: i32, %arg1: memref<16x64x2048xf32, #tpu.memory_space<vmem>>, %arg2: memref<16x2048xf32, #tpu.memory_space<vmem>>, %arg3: memref<1x64x2048xf32, #tpu.memory_space<vmem>>, %arg4: memref<16x64x2048xf32, #tpu.memory_space<vmem>>) attributes {dimension_semantics = [#tpu.dimension_semantics<arbitrary>], iteration_bounds = array<i64: 16>, scalar_prefetch = 0 : i64, scratch_operands = 0 : i64, tpu.core_type = #tpu.core_type<tc>, window_params = [{transform_indices = @transform_0, window_bounds = array<i64: 16, 64, 2048>}, {transform_indices = @transform_1, window_bounds = array<i64: 16, 2048>}, {pipeline_mode = #tpu.pipeline_mode<synchronous>, transform_indices = @transform_2, window_bounds = array<i64: 1, 64, 2048>}, {transform_indices = @transform_3, window_bounds = array<i64: 16, 64, 2048>}]} {
    %get3A = arith.constant 0 : index
    %get3A_0 = arith.constant 0 : index
    %get3A_1 = arith.constant 0 : index
    %get3A_2 = vector.load %arg1[%get3A, %get3A_0, %get3A_1] : memref<16x64x2048xf32, #tpu.memory_space<vmem>>, vector<1x64x2048xf32>
    %get3A_3 = vector.shape_cast %get3A_2 : vector<1x64x2048xf32> to vector<64x2048xf32>
    %get3A_4 = arith.constant 0 : index
    %get3A_5 = arith.constant 0 : index
    %get3A_6 = vector.load %arg2[%get3A_4, %get3A_5] : memref<16x2048xf32, #tpu.memory_space<vmem>>, vector<1x2048xf32>
    %add3A = vector.broadcast %get3A_6 : vector<1x2048xf32> to vector<64x2048xf32>
    %add3A_7 = arith.addf %get3A_3, %add3A : vector<64x2048xf32>
    %get3A_8 = arith.constant 0 : index
    %get3A_9 = arith.constant 0 : index
    %get3A_10 = arith.constant 0 : index
    %get3A_11 = vector.load %arg3[%get3A_8, %get3A_9, %get3A_10] : memref<1x64x2048xf32, #tpu.memory_space<vmem>>, vector<1x64x2048xf32>
    %get3A_12 = vector.shape_cast %get3A_11 : vector<1x64x2048xf32> to vector<64x2048xf32>
    %add3A_13 = arith.addf %add3A_7, %get3A_12 : vector<64x2048xf32>
    %swap3A = arith.constant 0 : index
    %swap3A_14 = arith.constant 0 : index
    %swap3A_15 = arith.constant 0 : index
    %swap3A_16 = vector.load %arg4[%swap3A, %swap3A_14, %swap3A_15] : memref<16x64x2048xf32, #tpu.memory_space<vmem>>, vector<1x64x2048xf32>
    %swap3A_17 = vector.shape_cast %swap3A_16 : vector<1x64x2048xf32> to vector<64x2048xf32>
    %swap3A_18 = vector.shape_cast %add3A_13 : vector<64x2048xf32> to vector<1x64x2048xf32>
    tpu.vector_store %arg4[%swap3A, %swap3A_14, %swap3A_15], %swap3A_18 {strides = array<i32>} : memref<16x64x2048xf32, #tpu.memory_space<vmem>>, vector<1x64x2048xf32>,
    %get3A_19 = arith.constant 1 : index
    %get3A_20 = arith.constant 0 : index
    %get3A_21 = arith.constant 0 : index
    %get3A_22 = vector.load %arg1[%get3A_19, %get3A_20, %get3A_21] : memref<16x64x2048xf32, #tpu.memory_space<vmem>>, vector<1x64x2048xf32>
    %get3A_23 = vector.shape_cast %get3A_22 : vector<1x64x2048xf32> to vector<64x2048xf32>
    %get3A_24 = arith.constant 1 : index
    %get3A_25 = arith.constant 0 : index
    %get3A_26 = vector.load %arg2[%get3A_24, %get3A_25] : memref<16x2048xf32, #tpu.memory_space<vmem>>, vector<1x2048xf32>
    %add3A_27 = vector.broadcast %get3A_26 : vector<1x2048xf32> to vector<64x2048xf32>
    %add3A_28 = arith.addf %get3A_23, %add3A_27 : vector<64x2048xf32>
    %get3A_29 = arith.constant 0 : index
    %get3A_30 = arith.constant 0 : index
    %get3A_31 = arith.constant 0 : index
    %get3A_32 = vector.load %arg3[%get3A_29, %get3A_30, %get3A_31] : memref<1x64x2048xf32, #tpu.memory_space<vmem>>, vector<1x64x2048xf32>
    %get3A_33 = vector.shape_cast %get3A_32 : vector<1x64x2048xf32> to vector<64x2048xf32>
    %add3A_34 = arith.addf %add3A_28, %get3A_33 : vector<64x2048xf32>
    %swap3A_35 = arith.constant 1 : index
    %swap3A_36 = arith.constant 0 : index
    %swap3A_37 = arith.constant 0 : index
    %swap3A_38 = vector.load %arg4[%swap3A_35, %swap3A_36, %swap3A_37] : memref<16x64x2048xf32, #tpu.memory_space<vmem>>, vector<1x64x2048xf32>
    %swap3A_39 = vector.shape_cast %swap3A_38 : vector<1x64x2048xf32> to vector<64x2048xf32>
    %swap3A_40 = vector.shape_cast %add3A_34 : vector<64x2048xf32> to vector<1x64x2048xf32>
    tpu.vector_store %arg4[%swap3A_35, %swap3A_36, %swap3A_37], %swap3A_40 {strides = array<i32>} : memref<16x64x2048xf32, #tpu.memory_space<vmem>>, vector<1x64x2048xf32>,
    %get3A_41 = arith.constant 2 : index
    %get3A_42 = arith.constant 0 : index
    %get3A_43 = arith.constant 0 : index
    %get3A_44 = vector.load %arg1[%get3A_41, %get3A_42, %get3A_43] : memref<16x64x2048xf32, #tpu.memory_space<vmem>>, vector<1x64x2048xf32>
    %get3A_45 = vector.shape_cast %get3A_44 : vector<1x64x2048xf32> to vector<64x2048xf32>
    %get3A_46 = arith.constant 2 : index
    %get3A_47 = arith.constant 0 : index
    %get3A_48 = vector.load %arg2[%get3A_46, %get3A_47] : memref<16x2048xf32, #tpu.memory_space<vmem>>, vector<1x2048xf32>
    %add3A_49 = vector.broadcast %get3A_48 : vector<1x2048xf32> to vector<64x2048xf32>
    %add3A_50 = arith.addf %get3A_45, %add3A_49 : vector<64x2048xf32>
    %get3A_51 = arith.constant 0 : index
    %get3A_52 = arith.constant 0 : index
    %get3A_53 = arith.constant 0 : index
    %get3A_54 = vector.load %arg3[%get3A_51, %get3A_52, %get3A_53] : memref<1x64x2048xf32, #tpu.memory_space<vmem>>, vector<1x64x2048xf32>
    %get3A_55 = vector.shape_cast %get3A_54 : vector<1x64x2048xf32> to vector<64x2048xf32>
    %add3A_56 = arith.addf %add3A_50, %get3A_55 : vector<64x2048xf32>
    %swap3A_57 = arith.constant 2 : index
    %swap3A_58 = arith.constant 0 : index
    %swap3A_59 = arith.constant 0 : index
    %swap3A_60 = vector.load %arg4[%swap3A_57, %swap3A_58, %swap3A_59] : memref<16x64x2048xf32, #tpu.memory_space<vmem>>, vector<1x64x2048xf32>
    %swap3A_61 = vector.shape_cast %swap3A_60 : vector<1x64x2048xf32> to vector<64x2048xf32>
    %swap3A_62 = vector.shape_cast %add3A_56 : vector<64x2048xf32> to vector<1x64x2048xf32>
    tpu.vector_store %arg4[%swap3A_57, %swap3A_58, %swap3A_59], %swap3A_62 {strides = array<i32>} : memref<16x64x2048xf32, #tpu.memory_space<vmem>>, vector<1x64x2048xf32>,
    %get3A_63 = arith.constant 3 : index
    %get3A_64 = arith.constant 0 : index
    %get3A_65 = arith.constant 0 : index
    %get3A_66 = vector.load %arg1[%get3A_63, %get3A_64, %get3A_65] : memref<16x64x2048xf32, #tpu.memory_space<vmem>>, vector<1x64x2048xf32>
    %get3A_67 = vector.shape_cast %get3A_66 : vector<1x64x2048xf32> to vector<64x2048xf32>
    %get3A_68 = arith.constant 3 : index
    %get3A_69 = arith.constant 0 : index
    %get3A_70 = vector.load %arg2[%get3A_68, %get3A_69] : memref<16x2048xf32, #tpu.memory_space<vmem>>, vector<1x2048xf32>
    %add3A_71 = vector.broadcast %get3A_70 : vector<1x2048xf32> to vector<64x2048xf32>
    %add3A_72 = arith.addf %get3A_67, %add3A_71 : vector<64x2048xf32>
    %get3A_73 = arith.constant 0 : index
    %get3A_74 = arith.constant 0 : index
    %get3A_75 = arith.constant 0 : index
    %get3A_76 = vector.load %arg3[%get3A_73, %get3A_74, %get3A_75] : memref<1x64x2048xf32, #tpu.memory_space<vmem>>, vector<1x64x2048xf32>
    %get3A_77 = vector.shape_cast %get3A_76 : vector<1x64x2048xf32> to vector<64x2048xf32>
    %add3A_78 = arith.addf %add3A_72, %get3A_77 : vector<64x2048xf32>
    %swap3A_79 = arith.constant 3 : index
    %swap3A_80 = arith.constant 0 : index
    %swap3A_81 = arith.constant 0 : index
    %swap3A_82 = vector.load %arg4[%swap3A_79, %swap3A_80, %swap3A_81] : memref<16x64x2048xf32, #tpu.memory_space<vmem>>, vector<1x64x2048xf32>
    %swap3A_83 = vector.shape_cast %swap3A_82 : vector<1x64x2048xf32> to vector<64x2048xf32>
    %swap3A_84 = vector.shape_cast %add3A_78 : vector<64x2048xf32> to vector<1x64x2048xf32>
    tpu.vector_store %arg4[%swap3A_79, %swap3A_80, %swap3A_81], %swap3A_84 {strides = array<i32>} : memref<16x64x2048xf32, #tpu.memory_space<vmem>>, vector<1x64x2048xf32>,
    %get3A_85 = arith.constant 4 : index
    %get3A_86 = arith.constant 0 : index
    %get3A_87 = arith.constant 0 : index
    %get3A_88 = vector.load %arg1[%get3A_85, %get3A_86, %get3A_87] : memref<16x64x2048xf32, #tpu.memory_space<vmem>>, vector<1x64x2048xf32>
    %get3A_89 = vector.shape_cast %get3A_88 : vector<1x64x2048xf32> to vector<64x2048xf32>
    %get3A_90 = arith.constant 4 : index
    %get3A_91 = arith.constant 0 : index
    %get3A_92 = vector.load %arg2[%get3A_90, %get3A_91] : memref<16x2048xf32, #tpu.memory_space<vmem>>, vector<1x2048xf32>
    %add3A_93 = vector.broadcast %get3A_92 : vector<1x2048xf32> to vector<64x2048xf32>
    %add3A_94 = arith.addf %get3A_89, %add3A_93 : vector<64x2048xf32>
    %get3A_95 = arith.constant 0 : index
    %get3A_96 = arith.constant 0 : index
    %get3A_97 = arith.constant 0 : index
    %get3A_98 = vector.load %arg3[%get3A_95, %get3A_96, %get3A_97] : memref<1x64x2048xf32, #tpu.memory_space<vmem>>, vector<1x64x2048xf32>
    %get3A_99 = vector.shape_cast %get3A_98 : vector<1x64x2048xf32> to vector<64x2048xf32>
    %add3A_100 = arith.addf %add3A_94, %get3A_99 : vector<64x2048xf32>
    %swap3A_101 = arith.constant 4 : index
    %swap3A_102 = arith.constant 0 : index
    %swap3A_103 = arith.constant 0 : index
    %swap3A_104 = vector.load %arg4[%swap3A_101, %swap3A_102, %swap3A_103] : memref<16x64x2048xf32, #tpu.memory_space<vmem>>, vector<1x64x2048xf32>
    %swap3A_105 = vector.shape_cast %swap3A_104 : vector<1x64x2048xf32> to vector<64x2048xf32>
    %swap3A_106 = vector.shape_cast %add3A_100 : vector<64x2048xf32> to vector<1x64x2048xf32>
    tpu.vector_store %arg4[%swap3A_101, %swap3A_102, %swap3A_103], %swap3A_106 {strides = array<i32>} : memref<16x64x2048xf32, #tpu.memory_space<vmem>>, vector<1x64x2048xf32>,
    %get3A_107 = arith.constant 5 : index
    %get3A_108 = arith.constant 0 : index
    %get3A_109 = arith.constant 0 : index
    %get3A_110 = vector.load %arg1[%get3A_107, %get3A_108, %get3A_109] : memref<16x64x2048xf32, #tpu.memory_space<vmem>>, vector<1x64x2048xf32>
    %get3A_111 = vector.shape_cast %get3A_110 : vector<1x64x2048xf32> to vector<64x2048xf32>
    %get3A_112 = arith.constant 5 : index
    %get3A_113 = arith.constant 0 : index
    %get3A_114 = vector.load %arg2[%get3A_112, %get3A_113] : memref<16x2048xf32, #tpu.memory_space<vmem>>, vector<1x2048xf32>
    %add3A_115 = vector.broadcast %get3A_114 : vector<1x2048xf32> to vector<64x2048xf32>
    %add3A_116 = arith.addf %get3A_111, %add3A_115 : vector<64x2048xf32>
    %get3A_117 = arith.constant 0 : index
    %get3A_118 = arith.constant 0 : index
    %get3A_119 = arith.constant 0 : index
    %get3A_120 = vector.load %arg3[%get3A_117, %get3A_118, %get3A_119] : memref<1x64x2048xf32, #tpu.memory_space<vmem>>, vector<1x64x2048xf32>
    %get3A_121 = vector.shape_cast %get3A_120 : vector<1x64x2048xf32> to vector<64x2048xf32>
    %add3A_122 = arith.addf %add3A_116, %get3A_121 : vector<64x2048xf32>
    %swap3A_123 = arith.constant 5 : index
    %swap3A_124 = arith.constant 0 : index
    %swap3A_125 = arith.constant 0 : index
    %swap3A_126 = vector.load %arg4[%swap3A_123, %swap3A_124, %swap3A_125] : memref<16x64x2048xf32, #tpu.memory_space<vmem>>, vector<1x64x2048xf32>
    %swap3A_127 = vector.shape_cast %swap3A_126 : vector<1x64x2048xf32> to vector<64x2048xf32>
    %swap3A_128 = vector.shape_cast %add3A_122 : vector<64x2048xf32> to vector<1x64x2048xf32>
    tpu.vector_store %arg4[%swap3A_123, %swap3A_124, %swap3A_125], %swap3A_128 {strides = array<i32>} : memref<16x64x2048xf32, #tpu.memory_space<vmem>>, vector<1x64x2048xf32>,
    %get3A_129 = arith.constant 6 : index
    %get3A_130 = arith.constant 0 : index
    %get3A_131 = arith.constant 0 : index
    %get3A_132 = vector.load %arg1[%get3A_129, %get3A_130, %get3A_131] : memref<16x64x2048xf32, #tpu.memory_space<vmem>>, vector<1x64x2048xf32>
    %get3A_133 = vector.shape_cast %get3A_132 : vector<1x64x2048xf32> to vector<64x2048xf32>
    %get3A_134 = arith.constant 6 : index
    %get3A_135 = arith.constant 0 : index
    %get3A_136 = vector.load %arg2[%get3A_134, %get3A_135] : memref<16x2048xf32, #tpu.memory_space<vmem>>, vector<1x2048xf32>
    %add3A_137 = vector.broadcast %get3A_136 : vector<1x2048xf32> to vector<64x2048xf32>
    %add3A_138 = arith.addf %get3A_133, %add3A_137 : vector<64x2048xf32>
    %get3A_139 = arith.constant 0 : index
    %get3A_140 = arith.constant 0 : index
    %get3A_141 = arith.constant 0 : index
    %get3A_142 = vector.load %arg3[%get3A_139, %get3A_140, %get3A_141] : memref<1x64x2048xf32, #tpu.memory_space<vmem>>, vector<1x64x2048xf32>
    %get3A_143 = vector.shape_cast %get3A_142 : vector<1x64x2048xf32> to vector<64x2048xf32>
    %add3A_144 = arith.addf %add3A_138, %get3A_143 : vector<64x2048xf32>
    %swap3A_145 = arith.constant 6 : index
    %swap3A_146 = arith.constant 0 : index
    %swap3A_147 = arith.constant 0 : index
    %swap3A_148 = vector.load %arg4[%swap3A_145, %swap3A_146, %swap3A_147] : memref<16x64x2048xf32, #tpu.memory_space<vmem>>, vector<1x64x2048xf32>
    %swap3A_149 = vector.shape_cast %swap3A_148 : vector<1x64x2048xf32> to vector<64x2048xf32>
    %swap3A_150 = vector.shape_cast %add3A_144 : vector<64x2048xf32> to vector<1x64x2048xf32>
    tpu.vector_store %arg4[%swap3A_145, %swap3A_146, %swap3A_147], %swap3A_150 {strides = array<i32>} : memref<16x64x2048xf32, #tpu.memory_space<vmem>>, vector<1x64x2048xf32>,
    %get3A_151 = arith.constant 7 : index
    %get3A_152 = arith.constant 0 : index
    %get3A_153 = arith.constant 0 : index
    %get3A_154 = vector.load %arg1[%get3A_151, %get3A_152, %get3A_153] : memref<16x64x2048xf32, #tpu.memory_space<vmem>>, vector<1x64x2048xf32>
    %get3A_155 = vector.shape_cast %get3A_154 : vector<1x64x2048xf32> to vector<64x2048xf32>
    %get3A_156 = arith.constant 7 : index
    %get3A_157 = arith.constant 0 : index
    %get3A_158 = vector.load %arg2[%get3A_156, %get3A_157] : memref<16x2048xf32, #tpu.memory_space<vmem>>, vector<1x2048xf32>
    %add3A_159 = vector.broadcast %get3A_158 : vector<1x2048xf32> to vector<64x2048xf32>
    %add3A_160 = arith.addf %get3A_155, %add3A_159 : vector<64x2048xf32>
    %get3A_161 = arith.constant 0 : index
    %get3A_162 = arith.constant 0 : index
    %get3A_163 = arith.constant 0 : index
    %get3A_164 = vector.load %arg3[%get3A_161, %get3A_162, %get3A_163] : memref<1x64x2048xf32, #tpu.memory_space<vmem>>, vector<1x64x2048xf32>
    %get3A_165 = vector.shape_cast %get3A_164 : vector<1x64x2048xf32> to vector<64x2048xf32>
    %add3A_166 = arith.addf %add3A_160, %get3A_165 : vector<64x2048xf32>
    %swap3A_167 = arith.constant 7 : index
    %swap3A_168 = arith.constant 0 : index
    %swap3A_169 = arith.constant 0 : index
    %swap3A_170 = vector.load %arg4[%swap3A_167, %swap3A_168, %swap3A_169] : memref<16x64x2048xf32, #tpu.memory_space<vmem>>, vector<1x64x2048xf32>
    %swap3A_171 = vector.shape_cast %swap3A_170 : vector<1x64x2048xf32> to vector<64x2048xf32>
    %swap3A_172 = vector.shape_cast %add3A_166 : vector<64x2048xf32> to vector<1x64x2048xf32>
    tpu.vector_store %arg4[%swap3A_167, %swap3A_168, %swap3A_169], %swap3A_172 {strides = array<i32>} : memref<16x64x2048xf32, #tpu.memory_space<vmem>>, vector<1x64x2048xf32>,
    %get3A_173 = arith.constant 8 : index
    %get3A_174 = arith.constant 0 : index
    %get3A_175 = arith.constant 0 : index
    %get3A_176 = vector.load %arg1[%get3A_173, %get3A_174, %get3A_175] : memref<16x64x2048xf32, #tpu.memory_space<vmem>>, vector<1x64x2048xf32>
    %get3A_177 = vector.shape_cast %get3A_176 : vector<1x64x2048xf32> to vector<64x2048xf32>
    %get3A_178 = arith.constant 8 : index
    %get3A_179 = arith.constant 0 : index
    %get3A_180 = vector.load %arg2[%get3A_178, %get3A_179] : memref<16x2048xf32, #tpu.memory_space<vmem>>, vector<1x2048xf32>
    %add3A_181 = vector.broadcast %get3A_180 : vector<1x2048xf32> to vector<64x2048xf32>
    %add3A_182 = arith.addf %get3A_177, %add3A_181 : vector<64x2048xf32>
    %get3A_183 = arith.constant 0 : index
    %get3A_184 = arith.constant 0 : index
    %get3A_185 = arith.constant 0 : index
    %get3A_186 = vector.load %arg3[%get3A_183, %get3A_184, %get3A_185] : memref<1x64x2048xf32, #tpu.memory_space<vmem>>, vector<1x64x2048xf32>
    %get3A_187 = vector.shape_cast %get3A_186 : vector<1x64x2048xf32> to vector<64x2048xf32>
    %add3A_188 = arith.addf %add3A_182, %get3A_187 : vector<64x2048xf32>
    %swap3A_189 = arith.constant 8 : index
    %swap3A_190 = arith.constant 0 : index
    %swap3A_191 = arith.constant 0 : index
    %swap3A_192 = vector.load %arg4[%swap3A_189, %swap3A_190, %swap3A_191] : memref<16x64x2048xf32, #tpu.memory_space<vmem>>, vector<1x64x2048xf32>
    %swap3A_193 = vector.shape_cast %swap3A_192 : vector<1x64x2048xf32> to vector<64x2048xf32>
    %swap3A_194 = vector.shape_cast %add3A_188 : vector<64x2048xf32> to vector<1x64x2048xf32>
    tpu.vector_store %arg4[%swap3A_189, %swap3A_190, %swap3A_191], %swap3A_194 {strides = array<i32>} : memref<16x64x2048xf32, #tpu.memory_space<vmem>>, vector<1x64x2048xf32>,
    %get3A_195 = arith.constant 9 : index
    %get3A_196 = arith.constant 0 : index
    %get3A_197 = arith.constant 0 : index
    %get3A_198 = vector.load %arg1[%get3A_195, %get3A_196, %get3A_197] : memref<16x64x2048xf32, #tpu.memory_space<vmem>>, vector<1x64x2048xf32>
    %get3A_199 = vector.shape_cast %get3A_198 : vector<1x64x2048xf32> to vector<64x2048xf32>
    %get3A_200 = arith.constant 9 : index
    %get3A_201 = arith.constant 0 : index
    %get3A_202 = vector.load %arg2[%get3A_200, %get3A_201] : memref<16x2048xf32, #tpu.memory_space<vmem>>, vector<1x2048xf32>
    %add3A_203 = vector.broadcast %get3A_202 : vector<1x2048xf32> to vector<64x2048xf32>
    %add3A_204 = arith.addf %get3A_199, %add3A_203 : vector<64x2048xf32>
    %get3A_205 = arith.constant 0 : index
    %get3A_206 = arith.constant 0 : index
    %get3A_207 = arith.constant 0 : index
    %get3A_208 = vector.load %arg3[%get3A_205, %get3A_206, %get3A_207] : memref<1x64x2048xf32, #tpu.memory_space<vmem>>, vector<1x64x2048xf32>
    %get3A_209 = vector.shape_cast %get3A_208 : vector<1x64x2048xf32> to vector<64x2048xf32>
    %add3A_210 = arith.addf %add3A_204, %get3A_209 : vector<64x2048xf32>
    %swap3A_211 = arith.constant 9 : index
    %swap3A_212 = arith.constant 0 : index
    %swap3A_213 = arith.constant 0 : index
    %swap3A_214 = vector.load %arg4[%swap3A_211, %swap3A_212, %swap3A_213] : memref<16x64x2048xf32, #tpu.memory_space<vmem>>, vector<1x64x2048xf32>
    %swap3A_215 = vector.shape_cast %swap3A_214 : vector<1x64x2048xf32> to vector<64x2048xf32>
    %swap3A_216 = vector.shape_cast %add3A_210 : vector<64x2048xf32> to vector<1x64x2048xf32>
    tpu.vector_store %arg4[%swap3A_211, %swap3A_212, %swap3A_213], %swap3A_216 {strides = array<i32>} : memref<16x64x2048xf32, #tpu.memory_space<vmem>>, vector<1x64x2048xf32>,
    %get3A_217 = arith.constant 10 : index
    %get3A_218 = arith.constant 0 : index
    %get3A_219 = arith.constant 0 : index
    %get3A_220 = vector.load %arg1[%get3A_217, %get3A_218, %get3A_219] : memref<16x64x2048xf32, #tpu.memory_space<vmem>>, vector<1x64x2048xf32>
    %get3A_221 = vector.shape_cast %get3A_220 : vector<1x64x2048xf32> to vector<64x2048xf32>
    %get3A_222 = arith.constant 10 : index
    %get3A_223 = arith.constant 0 : index
    %get3A_224 = vector.load %arg2[%get3A_222, %get3A_223] : memref<16x2048xf32, #tpu.memory_space<vmem>>, vector<1x2048xf32>
    %add3A_225 = vector.broadcast %get3A_224 : vector<1x2048xf32> to vector<64x2048xf32>
    %add3A_226 = arith.addf %get3A_221, %add3A_225 : vector<64x2048xf32>
    %get3A_227 = arith.constant 0 : index
    %get3A_228 = arith.constant 0 : index
    %get3A_229 = arith.constant 0 : index
    %get3A_230 = vector.load %arg3[%get3A_227, %get3A_228, %get3A_229] : memref<1x64x2048xf32, #tpu.memory_space<vmem>>, vector<1x64x2048xf32>
    %get3A_231 = vector.shape_cast %get3A_230 : vector<1x64x2048xf32> to vector<64x2048xf32>
    %add3A_232 = arith.addf %add3A_226, %get3A_231 : vector<64x2048xf32>
    %swap3A_233 = arith.constant 10 : index
    %swap3A_234 = arith.constant 0 : index
    %swap3A_235 = arith.constant 0 : index
    %swap3A_236 = vector.load %arg4[%swap3A_233, %swap3A_234, %swap3A_235] : memref<16x64x2048xf32, #tpu.memory_space<vmem>>, vector<1x64x2048xf32>
    %swap3A_237 = vector.shape_cast %swap3A_236 : vector<1x64x2048xf32> to vector<64x2048xf32>
    %swap3A_238 = vector.shape_cast %add3A_232 : vector<64x2048xf32> to vector<1x64x2048xf32>
    tpu.vector_store %arg4[%swap3A_233, %swap3A_234, %swap3A_235], %swap3A_238 {strides = array<i32>} : memref<16x64x2048xf32, #tpu.memory_space<vmem>>, vector<1x64x2048xf32>,
    %get3A_239 = arith.constant 11 : index
    %get3A_240 = arith.constant 0 : index
    %get3A_241 = arith.constant 0 : index
    %get3A_242 = vector.load %arg1[%get3A_239, %get3A_240, %get3A_241] : memref<16x64x2048xf32, #tpu.memory_space<vmem>>, vector<1x64x2048xf32>
    %get3A_243 = vector.shape_cast %get3A_242 : vector<1x64x2048xf32> to vector<64x2048xf32>
    %get3A_244 = arith.constant 11 : index
    %get3A_245 = arith.constant 0 : index
    %get3A_246 = vector.load %arg2[%get3A_244, %get3A_245] : memref<16x2048xf32, #tpu.memory_space<vmem>>, vector<1x2048xf32>
    %add3A_247 = vector.broadcast %get3A_246 : vector<1x2048xf32> to vector<64x2048xf32>
    %add3A_248 = arith.addf %get3A_243, %add3A_247 : vector<64x2048xf32>
    %get3A_249 = arith.constant 0 : index
    %get3A_250 = arith.constant 0 : index
    %get3A_251 = arith.constant 0 : index
    %get3A_252 = vector.load %arg3[%get3A_249, %get3A_250, %get3A_251] : memref<1x64x2048xf32, #tpu.memory_space<vmem>>, vector<1x64x2048xf32>
    %get3A_253 = vector.shape_cast %get3A_252 : vector<1x64x2048xf32> to vector<64x2048xf32>
    %add3A_254 = arith.addf %add3A_248, %get3A_253 : vector<64x2048xf32>
    %swap3A_255 = arith.constant 11 : index
    %swap3A_256 = arith.constant 0 : index
    %swap3A_257 = arith.constant 0 : index
    %swap3A_258 = vector.load %arg4[%swap3A_255, %swap3A_256, %swap3A_257] : memref<16x64x2048xf32, #tpu.memory_space<vmem>>, vector<1x64x2048xf32>
    %swap3A_259 = vector.shape_cast %swap3A_258 : vector<1x64x2048xf32> to vector<64x2048xf32>
    %swap3A_260 = vector.shape_cast %add3A_254 : vector<64x2048xf32> to vector<1x64x2048xf32>
    tpu.vector_store %arg4[%swap3A_255, %swap3A_256, %swap3A_257], %swap3A_260 {strides = array<i32>} : memref<16x64x2048xf32, #tpu.memory_space<vmem>>, vector<1x64x2048xf32>,
    %get3A_261 = arith.constant 12 : index
    %get3A_262 = arith.constant 0 : index
    %get3A_263 = arith.constant 0 : index
    %get3A_264 = vector.load %arg1[%get3A_261, %get3A_262, %get3A_263] : memref<16x64x2048xf32, #tpu.memory_space<vmem>>, vector<1x64x2048xf32>
    %get3A_265 = vector.shape_cast %get3A_264 : vector<1x64x2048xf32> to vector<64x2048xf32>
    %get3A_266 = arith.constant 12 : index
    %get3A_267 = arith.constant 0 : index
    %get3A_268 = vector.load %arg2[%get3A_266, %get3A_267] : memref<16x2048xf32, #tpu.memory_space<vmem>>, vector<1x2048xf32>
    %add3A_269 = vector.broadcast %get3A_268 : vector<1x2048xf32> to vector<64x2048xf32>
    %add3A_270 = arith.addf %get3A_265, %add3A_269 : vector<64x2048xf32>
    %get3A_271 = arith.constant 0 : index
    %get3A_272 = arith.constant 0 : index
    %get3A_273 = arith.constant 0 : index
    %get3A_274 = vector.load %arg3[%get3A_271, %get3A_272, %get3A_273] : memref<1x64x2048xf32, #tpu.memory_space<vmem>>, vector<1x64x2048xf32>
    %get3A_275 = vector.shape_cast %get3A_274 : vector<1x64x2048xf32> to vector<64x2048xf32>
    %add3A_276 = arith.addf %add3A_270, %get3A_275 : vector<64x2048xf32>
    %swap3A_277 = arith.constant 12 : index
    %swap3A_278 = arith.constant 0 : index
    %swap3A_279 = arith.constant 0 : index
    %swap3A_280 = vector.load %arg4[%swap3A_277, %swap3A_278, %swap3A_279] : memref<16x64x2048xf32, #tpu.memory_space<vmem>>, vector<1x64x2048xf32>
    %swap3A_281 = vector.shape_cast %swap3A_280 : vector<1x64x2048xf32> to vector<64x2048xf32>
    %swap3A_282 = vector.shape_cast %add3A_276 : vector<64x2048xf32> to vector<1x64x2048xf32>
    tpu.vector_store %arg4[%swap3A_277, %swap3A_278, %swap3A_279], %swap3A_282 {strides = array<i32>} : memref<16x64x2048xf32, #tpu.memory_space<vmem>>, vector<1x64x2048xf32>,
    %get3A_283 = arith.constant 13 : index
    %get3A_284 = arith.constant 0 : index
    %get3A_285 = arith.constant 0 : index
    %get3A_286 = vector.load %arg1[%get3A_283, %get3A_284, %get3A_285] : memref<16x64x2048xf32, #tpu.memory_space<vmem>>, vector<1x64x2048xf32>
    %get3A_287 = vector.shape_cast %get3A_286 : vector<1x64x2048xf32> to vector<64x2048xf32>
    %get3A_288 = arith.constant 13 : index
    %get3A_289 = arith.constant 0 : index
    %get3A_290 = vector.load %arg2[%get3A_288, %get3A_289] : memref<16x2048xf32, #tpu.memory_space<vmem>>, vector<1x2048xf32>
    %add3A_291 = vector.broadcast %get3A_290 : vector<1x2048xf32> to vector<64x2048xf32>
    %add3A_292 = arith.addf %get3A_287, %add3A_291 : vector<64x2048xf32>
    %get3A_293 = arith.constant 0 : index
    %get3A_294 = arith.constant 0 : index
    %get3A_295 = arith.constant 0 : index
    %get3A_296 = vector.load %arg3[%get3A_293, %get3A_294, %get3A_295] : memref<1x64x2048xf32, #tpu.memory_space<vmem>>, vector<1x64x2048xf32>
    %get3A_297 = vector.shape_cast %get3A_296 : vector<1x64x2048xf32> to vector<64x2048xf32>
    %add3A_298 = arith.addf %add3A_292, %get3A_297 : vector<64x2048xf32>
    %swap3A_299 = arith.constant 13 : index
    %swap3A_300 = arith.constant 0 : index
    %swap3A_301 = arith.constant 0 : index
    %swap3A_302 = vector.load %arg4[%swap3A_299, %swap3A_300, %swap3A_301] : memref<16x64x2048xf32, #tpu.memory_space<vmem>>, vector<1x64x2048xf32>
    %swap3A_303 = vector.shape_cast %swap3A_302 : vector<1x64x2048xf32> to vector<64x2048xf32>
    %swap3A_304 = vector.shape_cast %add3A_298 : vector<64x2048xf32> to vector<1x64x2048xf32>
    tpu.vector_store %arg4[%swap3A_299, %swap3A_300, %swap3A_301], %swap3A_304 {strides = array<i32>} : memref<16x64x2048xf32, #tpu.memory_space<vmem>>, vector<1x64x2048xf32>,
    %get3A_305 = arith.constant 14 : index
    %get3A_306 = arith.constant 0 : index
    %get3A_307 = arith.constant 0 : index
    %get3A_308 = vector.load %arg1[%get3A_305, %get3A_306, %get3A_307] : memref<16x64x2048xf32, #tpu.memory_space<vmem>>, vector<1x64x2048xf32>
    %get3A_309 = vector.shape_cast %get3A_308 : vector<1x64x2048xf32> to vector<64x2048xf32>
    %get3A_310 = arith.constant 14 : index
    %get3A_311 = arith.constant 0 : index
    %get3A_312 = vector.load %arg2[%get3A_310, %get3A_311] : memref<16x2048xf32, #tpu.memory_space<vmem>>, vector<1x2048xf32>
    %add3A_313 = vector.broadcast %get3A_312 : vector<1x2048xf32> to vector<64x2048xf32>
    %add3A_314 = arith.addf %get3A_309, %add3A_313 : vector<64x2048xf32>
    %get3A_315 = arith.constant 0 : index
    %get3A_316 = arith.constant 0 : index
    %get3A_317 = arith.constant 0 : index
    %get3A_318 = vector.load %arg3[%get3A_315, %get3A_316, %get3A_317] : memref<1x64x2048xf32, #tpu.memory_space<vmem>>, vector<1x64x2048xf32>
    %get3A_319 = vector.shape_cast %get3A_318 : vector<1x64x2048xf32> to vector<64x2048xf32>
    %add3A_320 = arith.addf %add3A_314, %get3A_319 : vector<64x2048xf32>
    %swap3A_321 = arith.constant 14 : index
    %swap3A_322 = arith.constant 0 : index
    %swap3A_323 = arith.constant 0 : index
    %swap3A_324 = vector.load %arg4[%swap3A_321, %swap3A_322, %swap3A_323] : memref<16x64x2048xf32, #tpu.memory_space<vmem>>, vector<1x64x2048xf32>
    %swap3A_325 = vector.shape_cast %swap3A_324 : vector<1x64x2048xf32> to vector<64x2048xf32>
    %swap3A_326 = vector.shape_cast %add3A_320 : vector<64x2048xf32> to vector<1x64x2048xf32>
    tpu.vector_store %arg4[%swap3A_321, %swap3A_322, %swap3A_323], %swap3A_326 {strides = array<i32>} : memref<16x64x2048xf32, #tpu.memory_space<vmem>>, vector<1x64x2048xf32>,
    %get3A_327 = arith.constant 15 : index
    %get3A_328 = arith.constant 0 : index
    %get3A_329 = arith.constant 0 : index
    %get3A_330 = vector.load %arg1[%get3A_327, %get3A_328, %get3A_329] : memref<16x64x2048xf32, #tpu.memory_space<vmem>>, vector<1x64x2048xf32>
    %get3A_331 = vector.shape_cast %get3A_330 : vector<1x64x2048xf32> to vector<64x2048xf32>
    %get3A_332 = arith.constant 15 : index
    %get3A_333 = arith.constant 0 : index
    %get3A_334 = vector.load %arg2[%get3A_332, %get3A_333] : memref<16x2048xf32, #tpu.memory_space<vmem>>, vector<1x2048xf32>
    %add3A_335 = vector.broadcast %get3A_334 : vector<1x2048xf32> to vector<64x2048xf32>
    %add3A_336 = arith.addf %get3A_331, %add3A_335 : vector<64x2048xf32>
    %get3A_337 = arith.constant 0 : index
    %get3A_338 = arith.constant 0 : index
    %get3A_339 = arith.constant 0 : index
    %get3A_340 = vector.load %arg3[%get3A_337, %get3A_338, %get3A_339] : memref<1x64x2048xf32, #tpu.memory_space<vmem>>, vector<1x64x2048xf32>
    %get3A_341 = vector.shape_cast %get3A_340 : vector<1x64x2048xf32> to vector<64x2048xf32>
    %add3A_342 = arith.addf %add3A_336, %get3A_341 : vector<64x2048xf32>
    %swap3A_343 = arith.constant 15 : index
    %swap3A_344 = arith.constant 0 : index
    %swap3A_345 = arith.constant 0 : index
    %swap3A_346 = vector.load %arg4[%swap3A_343, %swap3A_344, %swap3A_345] : memref<16x64x2048xf32, #tpu.memory_space<vmem>>, vector<1x64x2048xf32>
    %swap3A_347 = vector.shape_cast %swap3A_346 : vector<1x64x2048xf32> to vector<64x2048xf32>
    %swap3A_348 = vector.shape_cast %add3A_342 : vector<64x2048xf32> to vector<1x64x2048xf32>
    tpu.vector_store %arg4[%swap3A_343, %swap3A_344, %swap3A_345], %swap3A_348 {strides = array<i32>} : memref<16x64x2048xf32, #tpu.memory_space<vmem>>, vector<1x64x2048xf32>,
    return
  }
  func.func @transform_0(%arg0: i32) -> (i32, i32, i32) {
    %c0_i32 = arith.constant 0 : i32
    %c0_i32_0 = arith.constant 0 : i32
    %c0_i32_1 = arith.constant 0 : i32
    return %arg0, %c0_i32, %c0_i32_0 : i32, i32, i32
  }
  func.func @transform_1(%arg0: i32) -> (i32, i32) {
    %c0_i32 = arith.constant 0 : i32
    %c0_i32_0 = arith.constant 0 : i32
    return %arg0, %c0_i32 : i32, i32
  }
  func.func @transform_2(%arg0: i32) -> (i32, i32, i32) {
    %c0_i32 = arith.constant 0 : i32
    %c0_i32_0 = arith.constant 0 : i32
    %c0_i32_1 = arith.constant 0 : i32
    %c0_i32_2 = arith.constant 0 : i32
    return %c0_i32, %c0_i32_0, %c0_i32_1 : i32, i32, i32
  }
  func.func @transform_3(%arg0: i32) -> (i32, i32, i32) {
    %c0_i32 = arith.constant 0 : i32
    %c0_i32_0 = arith.constant 0 : i32
    %c0_i32_1 = arith.constant 0 : i32
    return %arg0, %c0_i32, %c0_i32_0 : i32, i32, i32
  }
}

</mosaic_0001>

<sc_bundles>
// kernel: kernel.4.cloned.1.call-start
scs
__scs_entry_jumppad:
0x0: {  	(pc) =	sbr.rel $0x88, $3  }
0x1: {  	(tag) =	ssettag $0x0;
	lr =	simm.s32 $0x1  }
0x2: {  	[smem:$0x3F9D] =	sst lr;
	_ =	strace $0xD0000000  }
0x3: {  	_ = 	snop  }
0x4: {  	_ = 	snop  }
0x5: {  	_ = 	snop  }
0x6: {  	_ = 	snop  }
0x7: {  	_ = 	snop  }
__scs_overlays_trampoline_lowered:
0x8: {  	[smem:$0x3FAC] =	sst s0  }
0x9: {  	[smem:$0x3FAD] =	sst s1  }
0xa: {  	[smem:$0x3FAE] =	sst s2  }
0xb: {  	[smem:$0x3FAF] =	sst s3  }
0xc: {  	[smem:$0x3FB0] =	sst s4  }
0xd: {  	[smem:$0x3FB1] =	sst s5  }
0xe: {  	[smem:$0x3FB2] =	sst s6  }
0xf: {  	[smem:$0x3FB3] =	sst s7  }
0x10: {  	[smem:$0x3FB4] =	sst s8  }
0x11: {  	[smem:$0x3FB5] =	sst s9;
	s0 =	simm.s32 @!p0 $0x0  }
0x12: {  	s1 =	sld [smem:$0x3F9B];
	s0 =	simm.s32 @p0 $0x1  }
0x13: {  	[smem:$0x3FB6] =	sst s0;
	s0 =	simm.s32 @!p1 $0x0  }
0x14: {  	s2 =	sld [smem:$0x3F9A];
	s0 =	simm.s32 @p1 $0x1  }
0x15: {  	[smem:$0x3FB7] =	sst s0;
	s0 =	simm.s32 @!p2 $0x0  }
0x16: {  	s3 =	sld [smem:$0x3FDB];
	s0 =	simm.s32 @p2 $0x1  }
0x17: {  	s4 =	simm.s32 $0x1BF5;
	[smem:$0x3FB9] =	sst s0  }
0x18: {  	s0 =	sld [smem:$0x3F9C];
	_ =	swait.ge [sflag:s4], $0x0  }
0x19: {  	s7 =	sld [smem:$0x3F9D]  }
0x1a: {  	s8 =	sadd.s32 $0xFFFFE003, lr  }
0x1b: {  	s9 =	sadd.s32 $0xFFFFFEF7, lr;
	s5 =	simm.s32 $0xFFFFFFFF;
	p2 =	slt.u32 s8, $0xFFFFF086  }
0x1c: {  	p1 =	slt.u32 s9, $0xF7A;
	s5 =	simm.s32 @!p2 $0x0  }
0x1d: {  	s5 =	simm.s32 @p1 $0x1;
	p0 =	seq.s32 s7, s2  }
0x1e: {  	s7 =	smul.u32 @!p0 $0xF7A, s2;
	p2 =	seq.s32 @!p0 s5, $0x0  }
0x1f: {  	s9 =	smul.u32 $0xF7A, s1;
	s8 =	simm.s32 @!p0 $0x1BF5;
	p2 =	por !p2, p0  }
0x20: {  	[sflag:s8] =	ssyncset.s32 @!p0 $0xFFFFF086;
	s6 =	sadd.s32 @!p0 s3, s7;
	s7 =	simm.s32 @!p0 $0x108  }
0x21: {  	s3 =	sadd.s32 s3, s9;
	s6 =	sadd.s32 @!p0 $0x88, s6;
	s7 =	simm.s32 @p2 $0x1082  }
0x22: {  	[simem:s7], [sflag:s8] =	dma.local @!p0 [hbm:s6], $0xF7A  }
0x23: {  	s9 =	sor.u32 $0xD0000000, s2;
	s6 =	simm.s32 $0x108;
	_ =	swait.ge @!p0 [sflag:s8], $0x0  }
0x24: {  	s3 =	sadd.s32 $0x88, s3;
	s6 =	simm.s32 @!p1 $0x1082;
	[sflag:s4] =	ssyncset.s32 $0xFFFFF086  }
0x25: {  	[simem:s6], [sflag:s4] =	dma.local [hbm:s3], $0xF7A  }
0x26: {  	[smem:$0x3F9D] =	sst s1;
	(tag) =	ssettag s2;
	_ =	strace s9  }
0x27: {  	s1 =	sld [smem:$0x3FAD]  }
0x28: {  	s2 =	sld [smem:$0x3FAE]  }
0x29: {  	s4 =	sld [smem:$0x3FB0]  }
0x2a: {  	p0 =	seq.s32 s5, $0x0;
	s5 =	sld [smem:$0x3FB1]  }
0x2b: {  	s6 =	sld [smem:$0x3FB2]  }
0x2c: {  	s7 =	sld [smem:$0x3FB3]  }
0x2d: {  	s3 =	simm.s32 $0x108;
	s8 =	sld [smem:$0x3FB4]  }
0x2e: {  	s3 =	simm.s32 @!p0 $0x1082;
	s9 =	sld [smem:$0x3FB5]  }
0x2f: {  	lr =	sadd.s32 s0, s3;
	s0 =	sld [smem:$0x3FAC]  }
0x30: {  	s3 =	sld [smem:$0x3FAF]  }
0x31: {  	[smem:$0x3FB8] =	sst s10  }
0x32: {  	s10 =	sld [smem:$0x3FB6];
	_ =	sdelay $0x3  }
0x33: {  	p0 =	seq.s32 s10, $0x1;
	s10 =	sld [smem:$0x3FB8];
	_ =	sdelay $0x3  }
0x34: {  	[smem:$0x3FB8] =	sst s10  }
0x35: {  	s10 =	sld [smem:$0x3FB7];
	_ =	sdelay $0x3  }
0x36: {  	p1 =	seq.s32 s10, $0x1;
	s10 =	sld [smem:$0x3FB8];
	_ =	sdelay $0x3  }
0x37: {  	[smem:$0x3FB8] =	sst s10  }
0x38: {  	s10 =	sld [smem:$0x3FB9]  }
0x39: {  	_ = 	snop;
	(pc) =	sbr.ind lr, $3  }
0x3a: {  	_ = 	snop  }
0x3b: {  	_ = 	snop  }
0x3c: {  	p2 =	seq.s32 s10, $0x1;
	s10 =	sld [smem:$0x3FB8]  }
0x3d: {  	_ =	shalt  }
0x3e: {  	_ =	shalt  }
0x3f: {  	_ =	shalt  }
0x40: {  	_ =	shalt  }
0x41: {  	_ =	shalt  }
0x42: {  	_ =	shalt  }
0x43: {  	_ =	shalt  }
0x44: {  	_ =	shalt  }
0x45: {  	_ =	shalt  }
0x46: {  	_ =	shalt  }
0x47: {  	_ =	shalt  }
0x48: {  	_ =	shalt  }
0x49: {  	_ =	shalt  }
0x4a: {  	_ =	shalt  }
0x4b: {  	_ =	shalt  }
0x4c: {  	_ =	shalt  }
0x4d: {  	_ =	shalt  }
0x4e: {  	_ =	shalt  }
0x4f: {  	_ =	shalt  }
0x50: {  	_ =	shalt  }
0x51: {  	_ =	shalt  }
0x52: {  	_ =	shalt  }
0x53: {  	_ =	shalt  }
0x54: {  	_ =	shalt  }
0x55: {  	_ =	shalt  }
0x56: {  	_ =	shalt  }
0x57: {  	_ =	shalt  }
0x58: {  	_ =	shalt  }
0x59: {  	_ =	shalt  }
0x5a: {  	_ =	shalt  }
0x5b: {  	_ =	shalt  }
0x5c: {  	_ =	shalt  }
0x5d: {  	_ =	shalt  }
0x5e: {  	_ =	shalt  }
0x5f: {  	_ =	shalt  }
0x60: {  	_ =	shalt  }
0x61: {  	_ =	shalt  }
0x62: {  	_ =	shalt  }
0x63: {  	_ =	shalt  }
0x64: {  	_ =	shalt  }
0x65: {  	_ =	shalt  }
0x66: {  	_ =	shalt  }
0x67: {  	_ =	shalt  }
0x68: {  	_ =	shalt  }
0x69: {  	_ =	shalt  }
0x6a: {  	_ =	shalt  }
0x6b: {  	_ =	shalt  }
0x6c: {  	_ =	shalt  }
0x6d: {  	_ =	shalt  }
0x6e: {  	_ =	shalt  }
0x6f: {  	_ =	shalt  }
0x70: {  	_ =	shalt  }
0x71: {  	_ =	shalt  }
0x72: {  	_ =	shalt  }
0x73: {  	_ =	shalt  }
0x74: {  	_ =	shalt  }
0x75: {  	_ =	shalt  }
0x76: {  	_ =	shalt  }
0x77: {  	_ =	shalt  }
0x78: {  	_ =	shalt  }
0x79: {  	_ =	shalt  }
0x7a: {  	_ =	shalt  }
0x7b: {  	_ =	shalt  }
0x7c: {  	_ =	shalt  }
0x7d: {  	_ =	shalt  }
0x7e: {  	_ =	shalt  }
0x7f: {  	_ =	shalt  }
0x80: {  	_ =	shalt  }
0x81: {  	_ =	shalt  }
0x82: {  	_ =	shalt  }
0x83: {  	_ =	shalt  }
0x84: {  	_ =	shalt  }
0x85: {  	_ =	shalt  }
0x86: {  	_ =	shalt  }
0x87: {  	_ =	shalt  }
.Lfunc_end0:
.L_simem_size_0:
called_computation_lowered:
.L_overlay_start_0:
0x88: {  	s2 =	sld [smem:$0x3FD9]  }
0x89: {  	s3 =	sld [smem:$0x3FFE];
	_ =	sdelay $0x1  }
0x8a: {  	s1 =	srdreg.scid  }
0x8b: {  	s0 =	sand.u32 $0x1, s1  }
0x8c: {  	s17 =	sshll.u32 s0, $0xA;
	s2 =	sadd.s32 s3, s2  }
0x8d: {  	s2 =	sadd.s32 s2, s17  }
0x8e: {  	[smem:$0x3FC4] =	sst s2  }
0x8f: {  	_ = 	snop  }
0x90: {  	s2 =	sld [smem:$0x3FD0];
	(tm) =	ssettm $0x1  }
0x91: {  	s18 =	sld [smem:$0x3FFB];
	_ =	sdelay $0x3  }
0x92: {  	_ =	strace s18  }
0x93: {  	s3 =	sld [smem:$0x3FFC];
	_ =	sdelay $0x3  }
0x94: {  	_ =	strace s3  }
0x95: {  	s3 =	sld [smem:$0x3FFD];
	_ =	sdelay $0x3  }
0x96: {  	_ =	strace s3  }
0x97: {  	_ =	strace $0x8FFFFFFF  }
0x98: {  	s19 =	sld [smem:$0x3FDB];
	_ =	sdelay $0x1  }
0x99: {  	s4 =	simm.s32 $_scs_section_size  }
0x9a: {  	s5 =	simm.s32 $_size__tile_overlayer_lowered;
	s6 =	simm.s32 $_tile_overlayer_lowered  }
0x9b: {  	s22 =	simm.s32 $0x1BFF;
	s21 =	sshll.u32 s6, $0x1;
	s3 =	sadd.s32 s4, s19  }
0x9c: {  	s7 =	simm.s32 $0x0;
	s20 =	sshll.u32 s5, $0x1;
	s5 =	sadd.s32 s21, s3  }
0x9d: {  	[timem:s7], [sflag:s22] =	dma.local [hbm:s5], s20  }
0x9e: {  	_ =	swait.ge [sflag:s22], s20  }
0x9f: {  	s4 =	ssub.s32 $0x0, s20;
	[sflag:s22] =	ssyncset.done $0x0  }
0xa0: {  	[sflag:s22] =	ssyncadd.s32 s4;
	_ =	sdelay $0x1  }
0xa1: {  	s23 =	simm.s32 $0x1B8B  }
0xa2: {  	_ =	swait.ge [sflag:s23], $0x1  }
0xa3: {  	[sflag:s23] =	ssyncset.done $0x0  }
0xa4: {  	s25 =	simm.s32 $0x1B8E;
	s24 =	sld [smem:$0x3FFE];
	[sflag:s23] =	ssyncadd.s32 $0xFFFFFFFF  }
0xa5: {  	s26 =	simm.s32 $execute0_lowered;
	[smem:$0x3FD2] =	sst s25  }
0xa6: {  	s5 =	sshll.u32 s26, $0x1;
	_ =	strace $0x80000046;
	[dreg:$0x1] =	wrdreg $0xFFFFFFFF  }
0xa7: {  	s28 =	simm.s32 $_size_execute0_lowered;
	s3 =	sadd.s32 s3, s5;
	[dreg:$0x0] =	wrdreg $0x0  }
0xa8: {  	s5 =	sshll.u32 s28, $0x1;
	[dreg:$0x2] =	wrdreg s3  }
0xa9: {  	[dreg:$0x3] =	wrdreg s5  }
0xaa: {  	[dreg:$0x4] =	wrdreg $0xC0  }
0xab: {  	_ =	task [dreg:s7], $0x5FFFF  }
0xac: {  	[dreg:$0x1] =	wrdreg $0xFFFFFFFF  }
0xad: {  	[dreg:$0x0] =	wrdreg $0x60  }
0xae: {  	[dreg:$0x2] =	wrdreg s24  }
0xaf: {  	[dreg:$0x3] =	wrdreg s2  }
0xb0: {  	[dreg:$0x4] =	wrdreg $0x9  }
0xb1: {  	_ =	task.clear_ibuf [dreg:s7], $0x5FFFF;
	_ =	strace $0x90000046  }
0xb2: {  	s29 =	simm.s32 $0x9;
	_ =	strace $0x80000048  }
0xb3: {  	_ =	swait.ge [sflag:s29], $0x1  }
0xb4: {  	[sflag:s29] =	ssyncadd.s32 $0xFFFFFFFF  }
0xb5: {  	_ =	strace $0x90000048  }
0xb6: {  	_ =	sfence  }
0xb7: {  	s30 =	sld [smem:$0x0];
	_ =	sdelay $0x2  }
0xb8: {  	s31 =	sshll.u32 s1, $0xD;
	s1 =	sshrl.u32 s1, $0x2  }
0xb9: {  	s3 =	sand.u32 $0x4000, s31;
	s1 =	sadd.s32 s1, s30  }
0xba: {  	s0 =	sor.u32 s3, s0;
	s1 =	sshll.u32 s1, $0x11  }
0xbb: {  	s0 =	sor.u32 s1, s0  }
0xbc: {  	s0 =	sadd.s32 $0x8F2B, s0  }
0xbd: {  	[sflag:s0] =	ssyncadd.remote.s32 $0x1  }
0xbe: {  	_ =	sfence.sel $0xFFFF  }
0xbf: {  	[dreg:$0x0] =	wrdreg $0xFFFFFFFF;
	(pc) =	sbr.abs _section_cstart, $3  }
0xc0: {  	[dreg:$0x1] =	wrdreg $0xFFFFFFFF  }
0xc1: {  	_ =	task.clear_ibuf [dreg:s7], $0x2FFFF;
	_ =	strace $0x9FFFFFFF  }
0xc2: {  	(tm) =	ssettm $0x7FFFFFFF  }
0xc3: {  	_ =	shalt  }
tec
execute0_lowered:
.L_overlay_start_1:
0x0: {  	(tag) =	ssettag $0x1  }
0x1: {  	s1 =	srdreg.scid  }
0x2: {  	s0 =	stileid.u32;
	s17 =	sand.u32 $0x1, s1  }
0x3: {  	s19 =	rddreg [dreg:$0x0];
	s30 =	sshll.u32 s0, $0x4;
	s2 =	sshll.u32 s17, $0x3  }
0x4: {  	s22 =	rddreg [dreg:$0x1];
	s23 =	sor.u32 s2, s30  }
0x5: {  	s1 =	rddreg [dreg:$0x2];
	s2 =	simm.s32 $0x0;
	s3 =	sshrl.u32 s23, $0x3  }
0x6: {  	[smem:$0x7FF] =	sst s2;
	s3 =	sadd.s32 s3, s19  }
0x7: {  	_ =	strace $0x80000047;
	s4 =	sadd.s32 $0x400, s3;
	s3 =	simm.s32 $0x2  }
0x8: {  	[tilespmem:s2], [sflag:$0x2] =	stream.linear.gather [hbm4b:s4+s2], $0x8, $0x38;
	[tilespmem:$0x4080] =	vst v63  }
0x9: {  	_ =	swait.ge [sflag:s3], $0x8  }
0xa: {  	[sflag:s3] =	ssyncset.done $0x0  }
0xb: {  	[sflag:s3] =	ssyncadd.s32 $0xFFFFFFF8  }
0xc: {  	v0 =	vld.msk [tilespmem:$0x0], $0xff;
	_ =	sdelay $0x4  }
0xd: {  	v1 =	vshll.u32 v0, $0x4  }
0xe: {  	v2 =	vlaneseq.u32;
	v3 =	vand.u32 $0x7, v0;
	v1 =	vand.u32 $0xFFFFFF80, v1  }
0xf: {  	v0 =	vand.u32 $0x7, v2;
	v2 =	vshrl.u32 v2, $0x3;
	v3 =	vor.u32 v3, v1  }
0x10: {  	v1 =	vmul.u32 $0x8, v2;
	v2 =	vperm.xlane v3, v0;
	_ =	sdelay $0x1  }
0x11: {  	v2 =	vadd.s32 v1, v2;
	_ =	sdelay $0x3  }
0x12: {  	vm0 =	vmmov $0xffff;
	s6 =	simm.s32 $0x80;
	s5 =	sadd.s32 $0x600, s19  }
0x13: {  	[tilespmem:s6], [sflag:$0x1] =	stream.indirect_vreg.gather [hbm4b:s5+s2], $0x80, v2, vm0, $0xb8;
	[tilespmem:$0x4080] =	vst v63  }
0x14: {  	s8 =	simm.s32 $0x880;
	s7 =	sadd.s32 $0x700, s19  }
0x15: {  	[tilespmem:s8], [sflag:$0x1] =	stream.indirect_vreg.gather [hbm4b:s7+s2], $0x80, v2, vm0, $0xb8;
	[tilespmem:$0x4080] =	vst v63  }
0x16: {  	s10 =	simm.s32 $0x1080;
	s9 =	sadd.s32 $0x800, s19  }
0x17: {  	[tilespmem:s10], [sflag:$0x1] =	stream.indirect_vreg.gather [hbm4b:s9+s2], $0x80, v2, vm0, $0xb8;
	[tilespmem:$0x4080] =	vst v63  }
0x18: {  	s12 =	simm.s32 $0x1880;
	s14 =	simm.s32 $0x2080;
	s11 =	sadd.s32 $0x900, s19  }
0x19: {  	[tilespmem:s12], [sflag:$0x1] =	stream.indirect_vreg.gather [hbm4b:s11+s2], $0x80, v2, vm0, $0xb8;
	[tilespmem:$0x4080] =	vst v63  }
0x1a: {  	s16 =	simm.s32 $0x2880;
	s13 =	sadd.s32 $0xA00, s19;
	s24 =	ssub.s32 $0x2, s17  }
0x1b: {  	[tilespmem:s14], [sflag:$0x1] =	stream.indirect_vreg.gather [hbm4b:s13+s2], $0x80, v2, vm0, $0xb8;
	[tilespmem:$0x4080] =	vst v63  }
0x1c: {  	s18 =	simm.s32 $0x3080;
	s15 =	sadd.s32 $0xB00, s19;
	s25 =	sshrl.u32 s24, $0x1  }
0x1d: {  	[tilespmem:s16], [sflag:$0x1] =	stream.indirect_vreg.gather [hbm4b:s15+s2], $0x80, v2, vm0, $0xb8;
	[tilespmem:$0x4080] =	vst v63  }
0x1e: {  	s20 =	simm.s32 $0x3880;
	s17 =	sadd.s32 $0xC00, s19;
	s24 =	ssub.s32 s24, s25  }
0x1f: {  	[tilespmem:s18], [sflag:$0x1] =	stream.indirect_vreg.gather [hbm4b:s17+s2], $0x80, v2, vm0, $0xb8;
	[tilespmem:$0x4080] =	vst v63  }
0x20: {  	s21 =	simm.s32 $0x1;
	s19 =	sadd.s32 $0xD00, s19;
	s31 =	smax.u32 s24, $0x1  }
0x21: {  	[tilespmem:s20], [sflag:$0x1] =	stream.indirect_vreg.gather [hbm4b:s19+s2], $0x80, v2, vm0, $0xb8;
	[tilespmem:$0x4080] =	vst v63  }
0x22: {  	p0 =	sne.s32 s31, $0x1;
	_ =	swait.ge [sflag:s21], $0x4000  }
.Ltmp0:
0x23: {  	s23 =	sshll.u32 s23, $0x8;
	[sflag:s21] =	ssyncset.done $0x0;
	(pc) =	sbr.rel @!p0 .LBB2_2-.Ltmp0, $4  }
0x24: {  	s22 =	sadd.s32 s22, s23;
	[sflag:s21] =	ssyncadd.s32 $0xFFFFC000  }
0x25: {  	[hbm4b:s22+s2] =	stream.linear.scatter [tilespmem:s6], [sflag:$0x2], $0x4000, $0x38;
	[tilespmem:$0x4080] =	vst v63  }
0x26: {  	_ =	swait.ge [sflag:s3], $0x4000  }
0x27: {  	s23 =	sadd.s32 $0xFFFFFFFF, s31;
	[sflag:s3] =	ssyncset.done $0x0  }
.LBB2_1:
0x28: {  	p0 =	sne.s32 s23, $0x1;
	s23 =	sadd.s32 $0xFFFFFFFF, s23;
	[sflag:s3] =	ssyncadd.s32 $0xFFFFC000  }
0x29: {  	[tilespmem:s2], [sflag:$0x2] =	stream.linear.gather [hbm4b:s4+s2], $0x8, $0x38;
	[tilespmem:$0x4080] =	vst v63  }
0x2a: {  	_ =	swait.ge [sflag:s3], $0x8  }
0x2b: {  	[sflag:s3] =	ssyncset.done $0x0  }
0x2c: {  	[sflag:s3] =	ssyncadd.s32 $0xFFFFFFF8  }
0x2d: {  	v2 =	vld.msk [tilespmem:$0x0], $0xff;
	_ =	sdelay $0x4  }
0x2e: {  	v3 =	vshll.u32 v2, $0x4  }
0x2f: {  	v2 =	vand.u32 $0x7, v2;
	v3 =	vand.u32 $0xFFFFFF80, v3  }
0x30: {  	v2 =	vor.u32 v2, v3  }
0x31: {  	v2 =	vperm.xlane v2, v0;
	_ =	sdelay $0x1  }
0x32: {  	v2 =	vadd.s32 v1, v2;
	_ =	sdelay $0x4  }
0x33: {  	[tilespmem:s6], [sflag:$0x1] =	stream.indirect_vreg.gather [hbm4b:s5+s2], $0x80, v2, vm0, $0xb8;
	[tilespmem:$0x4080] =	vst v63  }
0x34: {  	_ = 	snop  }
0x35: {  	[tilespmem:s8], [sflag:$0x1] =	stream.indirect_vreg.gather [hbm4b:s7+s2], $0x80, v2, vm0, $0xb8;
	[tilespmem:$0x4080] =	vst v63  }
0x36: {  	_ = 	snop  }
0x37: {  	[tilespmem:s10], [sflag:$0x1] =	stream.indirect_vreg.gather [hbm4b:s9+s2], $0x80, v2, vm0, $0xb8;
	[tilespmem:$0x4080] =	vst v63  }
0x38: {  	_ = 	snop  }
0x39: {  	[tilespmem:s12], [sflag:$0x1] =	stream.indirect_vreg.gather [hbm4b:s11+s2], $0x80, v2, vm0, $0xb8;
	[tilespmem:$0x4080] =	vst v63  }
0x3a: {  	_ = 	snop  }
0x3b: {  	[tilespmem:s14], [sflag:$0x1] =	stream.indirect_vreg.gather [hbm4b:s13+s2], $0x80, v2, vm0, $0xb8;
	[tilespmem:$0x4080] =	vst v63  }
0x3c: {  	_ = 	snop  }
0x3d: {  	[tilespmem:s16], [sflag:$0x1] =	stream.indirect_vreg.gather [hbm4b:s15+s2], $0x80, v2, vm0, $0xb8;
	[tilespmem:$0x4080] =	vst v63  }
0x3e: {  	_ = 	snop  }
0x3f: {  	[tilespmem:s18], [sflag:$0x1] =	stream.indirect_vreg.gather [hbm4b:s17+s2], $0x80, v2, vm0, $0xb8;
	[tilespmem:$0x4080] =	vst v63  }
0x40: {  	_ = 	snop  }
0x41: {  	[tilespmem:s20], [sflag:$0x1] =	stream.indirect_vreg.gather [hbm4b:s19+s2], $0x80, v2, vm0, $0xb8;
	[tilespmem:$0x4080] =	vst v63  }
0x42: {  	_ =	swait.ge [sflag:s21], $0x4000  }
.Ltmp1:
0x43: {  	[sflag:s21] =	ssyncset.done $0x0;
	(pc) =	sbr.rel @p0 .LBB2_1-.Ltmp1, $4  }
0x44: {  	[sflag:s21] =	ssyncadd.s32 $0xFFFFC000  }
0x45: {  	[hbm4b:s22+s2] =	stream.linear.scatter [tilespmem:s6], [sflag:$0x2], $0x4000, $0x38;
	[tilespmem:$0x4080] =	vst v63  }
0x46: {  	_ =	swait.ge [sflag:s3], $0x4000  }
0x47: {  	[sflag:s3] =	ssyncset.done $0x0  }
.LBB2_2:
0x48: {  	[sflag:s3] =	ssyncadd.s32 $0xFFFFC000  }
0x49: {  	_ =	sfence.sel $0x180000  }
0x4a: {  	[bflag:$0x0] =	sbarrier.arrive $0xFFFF  }
0x4b: {  	p0 =	sne.s32 s0, $0x0;
	_ =	strace $0x90000047  }
0x4c: {  	s0 =	sadd.s32 @!p0 $0x100000, s1;
	[bflag:$0x2] =	sbarrier.arrive $0xFFFF  }
0x4d: {  	[sflag:s0] =	ssyncadd.tile.s32 @!p0 $0x1;
	_ =	shalt  }
.Lfunc_end2:
_tile_overlayer_lowered:
.L_overlay_start_2:
0x4e: {  	(tag) =	ssettag $0x2  }
0x4f: {  	s0 =	rddreg [dreg:$0x0];
	s2 =	stileid.u32  }
0x50: {  	s1 =	rddreg [dreg:$0x1];
	p0 =	sne.s32 s2, $0x0  }
0x51: {  	s3 =	rddreg [dreg:$0x2];
	[bflag:$0x3] =	sbarrier.arrive $0xFFFF;
	s2 =	simm.s32 @!p0 $0x1C02  }
0x52: {  	[timem:s3], [sflag:s2] =	dma.local @!p0 [hbm:s0], s1  }
0x53: {  	s0 =	simm.s32 @!p0 $0x2  }
0x54: {  	_ =	swait.ge @!p0 [sflag:s0], s1  }
0x55: {  	s1 =	ssub.s32 @!p0 $0x0, s1;
	[sflag:s0] =	ssyncset.done @!p0 $0x0  }
0x56: {  	[sflag:s0] =	ssyncadd.s32 @!p0 s1  }
0x57: {  	[bflag:$0x3] =	sbarrier.arrive $0xFFFF  }
0x58: {  	_ =	shalt  }

</sc_bundles>
